<compile_context>
chip_gen: v7x
topology: tpu7x:2x2x1
jax: 0.10.2.dev20260603
libtpu: 0.0.44.dev20260713+nightly
codegen_flags: <defaults>
</compile_context>

<pallas_src>
import functools

import jax
import jax.numpy as jnp
from jax import lax
from jax.experimental import pallas as pl
from jax.experimental.pallas import tpu as pltpu
from jax.experimental.pallas import tpu_sc as plsc

_C = 80


def _route_block(x_ref, w_ref, data_ref, counts_ref):
    i = pl.program_id(1)
    T = x_ref.shape[1]
    E = w_ref.shape[1]
    x = x_ref[0]
    w = w_ref[...]
    logits = jnp.dot(x, w, preferred_element_type=jnp.float32)

    lanes_f = jax.lax.broadcasted_iota(
        jnp.int32, logits.shape, 1).astype(jnp.float32)
    rev_f = E - lanes_f
    m0 = jnp.max(logits, axis=-1, keepdims=True)
    ex = jnp.exp(logits - m0)
    s = jnp.sum(ex, axis=-1, keepdims=True)
    probs = ex / s
    lse = m0 + jnp.log(s)

    pm0 = jnp.max(probs, axis=-1, keepdims=True)
    eq0 = (probs == pm0).astype(jnp.float32)
    i0 = E - jnp.max(rev_f * eq0, axis=-1, keepdims=True)
    oh0 = (lanes_f == i0).astype(jnp.float32)
    rest = jnp.where(lanes_f == i0, -1.0, probs)
    pm1 = jnp.max(rest, axis=-1, keepdims=True)
    eq1 = (rest == pm1).astype(jnp.float32)
    i1 = E - jnp.max(rev_f * eq1, axis=-1, keepdims=True)
    oh1 = (lanes_f == i1).astype(jnp.float32)
    g0 = jnp.sum(oh0 * probs, axis=-1, keepdims=True)
    g1 = jnp.sum(oh1 * probs, axis=-1, keepdims=True)

    @pl.when(i == 0)
    def _():
        counts_ref[0] = jnp.zeros_like(counts_ref[0])

    counts_ref[0, 0:1, :] = counts_ref[0, 0:1, :] + jnp.sum(oh0, axis=0, keepdims=True)
    counts_ref[0, 1:2, :] = counts_ref[0, 1:2, :] + jnp.sum(oh1, axis=0, keepdims=True)
    counts_ref[0, 2:3, :] = counts_ref[0, 2:3, :] + jnp.sum(probs, axis=0, keepdims=True)
    zc = jnp.sum(lse * lse, axis=0, keepdims=True)
    counts_ref[0, 3:4, :] = counts_ref[0, 3:4, :] + zc / E

    z = jnp.zeros_like(g0)
    data_ref[0] = jnp.concatenate([i0, i1, z, z, g0, g1, z, z], axis=1).T


def _sc_scan(data):
    B = data.shape[0]
    N = data.shape[2]
    mesh = plsc.VectorSubcoreMesh(core_axis_name="c", subcore_axis_name="s")

    @functools.partial(
        pl.kernel, mesh=mesh,
        out_type=jax.ShapeDtypeStruct((B, 8, N), jnp.float32),
        scratch_types=[
            pltpu.VMEM((N,), jnp.float32),
            pltpu.VMEM((N,), jnp.float32),
            pltpu.VMEM((64,), jnp.int32),
            pltpu.VMEM((16,), jnp.int32),
            pltpu.SemaphoreType.DMA,
        ],
        compiler_params=pltpu.CompilerParams(needs_layout_passes=False))
    def scan_k(data_hbm, prio_hbm, idxbuf, pbuf, counters, stage, sem):
        cid = lax.axis_index("c")
        sid = lax.axis_index("s")
        w = sid * 2 + cid

        @pl.when(w < B * 2)
        def _():
            b = w // 2
            slot = w % 2
            pltpu.sync_copy(data_hbm.at[b, slot], idxbuf)
            pos = lax.iota(jnp.int32, 16)
            for zi in range(4):
                counters[pl.ds(zi * 16, 16)] = jnp.zeros((16,), jnp.int32)

            def body(j, carry):
                ef = idxbuf[pl.ds(j * 16, 16)]
                e = ef.astype(jnp.int32)
                key = e * 16 + pos
                ks, _ = plsc.sort_key_val(key, pos)
                e_s = lax.shift_right_logical(ks, 4)
                lane_s = ks & 15
                stage[...] = e_s
                e_prev = plsc.load_gather(stage, [jnp.maximum(pos - 1, 0)])
                bnd = (e_s != e_prev) | (pos == 0)
                run_start = plsc.cummax(jnp.where(bnd, pos, 0))
                rank = pos - run_start
                base = plsc.load_gather(counters, [e_s])
                p_s = base + rank
                plsc.store_scatter(
                    pbuf, [j * 16 + lane_s], p_s.astype(jnp.float32))
                e_next = plsc.load_gather(stage, [jnp.minimum(pos + 1, 15)])
                last = (e_s != e_next) | (pos == 15)
                plsc.store_scatter(counters, [e_s], p_s + 1, mask=last)
                return carry

            lax.fori_loop(0, N // 16, body, 0)
            pltpu.sync_copy(pbuf, prio_hbm.at[b, slot])

    return scan_k(data)


def _expand_block(data_ref, prio_ref, counts_ref, cap_ref, jiota_ref,
                  disp_ref, comb_ref):
    T = data_ref.shape[2]
    E = counts_ref.shape[2]
    dt = data_ref[0]
    i0 = dt[0:1, :]
    i1 = dt[1:2, :]
    g0 = dt[4:5, :]
    g1 = dt[5:6, :]
    p0 = prio_ref[0, 0:1, :]
    c1l = prio_ref[0, 1:2, :]
    sub_e = jax.lax.broadcasted_iota(jnp.int32, (E, T), 0)
    oh1 = (sub_e == i1.astype(jnp.int32)).astype(jnp.float32)
    cnt0 = counts_ref[0, 0:1, :]
    p1 = c1l + jax.lax.dot_general(
        cnt0, oh1, (((1,), (0,)), ((), ())),
        precision=jax.lax.Precision.HIGHEST,
        preferred_element_type=jnp.float32)
    capv = jnp.minimum(cap_ref[0:1, 0:1], float(_C))
    q0 = jnp.where(p0 < capv, i0 * _C + p0, -1.0)
    q1 = jnp.where(p1 < capv, i1 * _C + p1, -1.0)
    j_iota = jiota_ref[...][:, :, None]
    mk0 = j_iota == q0[0][None, None, :]
    mk1 = j_iota == q1[0][None, None, :]
    zero = jnp.zeros((E, _C, T), jnp.float32)
    disp_ref[0] = jnp.where(jnp.logical_or(mk0, mk1), 1.0, zero)
    comb_ref[0] = jnp.where(
        mk0, g0[0][None, None, :],
        jnp.where(mk1, g1[0][None, None, :], zero))


def kernel(token_inputs, expert_capacity, w_gate):
    B, N, D = token_inputs.shape
    E = w_gate.shape[1]
    T1 = 512
    T2 = 256

    data, counts = pl.pallas_call(
        _route_block,
        grid=(B, N // T1),
        in_specs=[
            pl.BlockSpec((1, T1, D), lambda b, i: (b, i, 0)),
            pl.BlockSpec((D, E), lambda b, i: (0, 0)),
        ],
        out_specs=[
            pl.BlockSpec((1, 8, T1), lambda b, i: (b, 0, i)),
            pl.BlockSpec((1, 8, E), lambda b, i: (b, 0, 0)),
        ],
        out_shape=[
            jax.ShapeDtypeStruct((B, 8, N), jnp.float32),
            jax.ShapeDtypeStruct((B, 8, E), jnp.float32),
        ],
        compiler_params=pltpu.CompilerParams(
            dimension_semantics=("arbitrary", "arbitrary")),
    )(token_inputs, w_gate)

    prio = _sc_scan(data)

    cap_arr = jnp.full((8, E), expert_capacity, dtype=jnp.float32)
    jiota = jnp.arange(E * _C, dtype=jnp.float32).reshape(E, _C)
    disp, comb = pl.pallas_call(
        _expand_block,
        grid=(B, N // T2),
        in_specs=[
            pl.BlockSpec((1, 8, T2), lambda b, i: (b, 0, i)),
            pl.BlockSpec((1, 8, T2), lambda b, i: (b, 0, i)),
            pl.BlockSpec((1, 8, E), lambda b, i: (b, 0, 0)),
            pl.BlockSpec((8, E), lambda b, i: (0, 0)),
            pl.BlockSpec((E, _C), lambda b, i: (0, 0)),
        ],
        out_specs=[
            pl.BlockSpec((1, E, _C, T2), lambda b, i: (b, 0, 0, i)),
            pl.BlockSpec((1, E, _C, T2), lambda b, i: (b, 0, 0, i)),
        ],
        out_shape=[
            jax.ShapeDtypeStruct((B, E, _C, N), jnp.float32),
            jax.ShapeDtypeStruct((B, E, _C, N), jnp.float32),
        ],
        compiler_params=pltpu.CompilerParams(
            dimension_semantics=("parallel", "arbitrary")),
    )(data, prio, counts, cap_arr, jiota)
    disp = jnp.transpose(disp, (0, 3, 1, 2))
    comb = jnp.transpose(comb, (0, 3, 1, 2))

    cnt = counts[:, 0, :] + counts[:, 1, :]
    psum = counts[:, 2, :]
    aux_loss = jnp.sum(cnt * psum) * E / (B * N * N)
    z_loss = jnp.sum(counts[:, 3, :]) / (B * N)
    return {
        "dispatch_tensor": disp,
        "combine_tensor": comb,
        "aux_loss": aux_loss,
        "router_z_loss": z_loss,
    }

# --- scband reference (transcript-rebuilt; emitter-appended) ---
"""Pipeline reference for scband-topk-router-75058848464994 (READ-ONLY COPY).

The authoritative reference and input builder live on the scoring server;
editing this copy changes nothing except your own understanding.
"""

import jax, jax.numpy as jnp
import numpy as np

TOPK = 2


def router_z_loss(router_logits):
    z = jax.nn.logsumexp(router_logits, axis=-1)
    return jnp.mean(z ** 2)


def load_balancing_loss(router_probs, expert_indices):
    num_experts = router_probs.shape[-1]
    expert_mask = jax.nn.one_hot(expert_indices, num_experts, dtype=jnp.float32)  # [B,N,k,E]
    expert_mask = jnp.max(expert_mask, axis=-2)  # [B,N,E]
    tokens_per_expert = jnp.mean(expert_mask, axis=-2)  # [B,E]
    router_prob_per_expert = jnp.mean(router_probs, axis=-2)  # [B,E]
    return jnp.mean(tokens_per_expert * router_prob_per_expert) * (num_experts ** 2)


def setup_inputs(seed: int = 0) -> dict:
    key = jax.random.key(seed)
    k1, k2 = jax.random.split(key)
    token_inputs = jax.random.normal(k1, (2, 2048, 4096), dtype=jnp.float32)
    w_gate = jax.random.normal(k2, (4096, 64), dtype=jnp.float32)
    return {"token_inputs": token_inputs, "expert_capacity": 80, "w_gate": w_gate}


def reference(token_inputs, expert_capacity, w_gate):
    # SparseRouterWeights
    router_logits = jnp.einsum('bnd,de->bne', token_inputs, w_gate)
    z_loss = router_z_loss(router_logits)
    router_probs = jax.nn.softmax(router_logits, axis=-1)
    B, N, E = router_probs.shape
    # TopkRouter.compute_routing_instructions
    expert_gate, expert_indices = jax.lax.top_k(router_probs, TOPK)  # [B,N,k]
    aux_loss = load_balancing_loss(router_probs, expert_indices)
    ei = jnp.transpose(expert_indices, (0, 2, 1)).reshape(B, TOPK * N)  # [B, k*N]
    expert_mask = jax.nn.one_hot(ei, E, dtype=jnp.int32)  # [B, k*N, E]
    token_priority = jnp.cumsum(expert_mask, axis=1) * expert_mask - 1.0
    token_priority = token_priority.reshape(B, TOPK, N, E)
    token_priority = jnp.transpose(token_priority, (0, 2, 1, 3))  # [B,N,k,E]
    token_priority = jnp.max(token_priority, axis=2)  # [B,N,E]
    token_priority = token_priority.astype(jnp.int32)
    capacity_classes = jnp.arange(80, dtype=jnp.int32)
    dispatch_tensor = (token_priority[..., None] == capacity_classes).astype(jnp.float32)  # [B,N,E,C]
    dispatch_tensor = dispatch_tensor * (capacity_classes < expert_capacity).astype(jnp.float32)
    combine_tensor = jnp.einsum('...te,...tec->...tec', router_probs, dispatch_tensor)
    return {"dispatch_tensor": dispatch_tensor, "combine_tensor": combine_tensor, "aux_loss": aux_loss, "router_z_loss": z_loss}

if __name__ == "__main__":
    import jax
    _d = setup_inputs()
    print(jax.jit(kernel)(*tuple(_d.values())))

</pallas_src>

<mosaic_0001>
#map = affine_map<(d0, d1) -> (0, 0, 0)>
module attributes {stable_mosaic.version = 14 : i64} {
  func.func @scan_k(%arg0: i32, %arg1: i32, %arg2: memref<2x8x2048xf32, #tpu.memory_space<hbm>>, %arg3: memref<2x8x2048xf32, #tpu.memory_space<hbm>>, %arg4: memref<2048xf32, #tpu.memory_space<vmem>>, %arg5: memref<2048xf32, #tpu.memory_space<vmem>>, %arg6: memref<64xi32, #tpu.memory_space<vmem>>, %arg7: memref<16xi32, #tpu.memory_space<vmem>>, %arg8: memref<!tpu.dma_semaphore, #tpu.memory_space<semaphore_mem>>) attributes {dimension_semantics = [#tpu.dimension_semantics<core_parallel>, #tpu.dimension_semantics<subcore_parallel>], iteration_bounds = array<i64: 2, 16>, scalar_prefetch = 0 : i64, scratch_operands = 5 : i64, tpu.core_type = #tpu.core_type<sc_vector_subcore>, window_params = [{transform_indices = #map}, {transform_indices = #map}]} {
    %mul3A = arith.constant 2 : i32
    %mul3A_0 = arith.muli %arg1, %mul3A : i32
    %add3A = arith.addi %mul3A_0, %arg0 : i32
    %lt3A = arith.constant 4 : i32
    %lt3A_1 = arith.cmpi slt, %add3A, %lt3A : i32
    %convert_element_type3A = arith.extui %lt3A_1 : i1 to i32
    %cond3A = arith.constant 0 : i32
    %cond3A_2 = arith.cmpi ne, %convert_element_type3A, %cond3A : i32
    scf.if %cond3A_2 {
      %jit3A = arith.constant 2 : i32
      %div3A = arith.divsi %add3A, %jit3A : i32
      %sign3A = arith.constant 0 : i32
      %sign3A_3 = arith.cmpi sgt, %add3A, %sign3A : i32
      %sign3A_4 = arith.extui %sign3A_3 : i1 to i32
      %sign3A_5 = arith.constant 0 : i32
      %sign3A_6 = arith.cmpi slt, %add3A, %sign3A_5 : i32
      %sign3A_7 = arith.extui %sign3A_6 : i1 to i32
      %sign3A_8 = arith.subi %sign3A_4, %sign3A_7 : i32
      %sign3A_9 = arith.constant 0 : i32
      %sign3A_10 = arith.cmpi sgt, %jit3A, %sign3A_9 : i32
      %sign3A_11 = arith.extui %sign3A_10 : i1 to i32
      %sign3A_12 = arith.constant 0 : i32
      %sign3A_13 = arith.cmpi slt, %jit3A, %sign3A_12 : i32
      %sign3A_14 = arith.extui %sign3A_13 : i1 to i32
      %sign3A_15 = arith.subi %sign3A_11, %sign3A_14 : i32
      %ne3A = arith.cmpi ne, %sign3A_8, %sign3A_15 : i32
      %rem3A = arith.remsi %add3A, %jit3A : i32
      %ne3A_16 = arith.constant 0 : i32
      %ne3A_17 = arith.cmpi ne, %rem3A, %ne3A_16 : i32
      %and3A = arith.andi %ne3A, %ne3A_17 : i1
      %sub3A = arith.constant 1 : i32
      %sub3A_18 = arith.subi %div3A, %sub3A : i32
      %select_n3A = arith.select %and3A, %sub3A_18, %div3A : i32
      %jit3A_19 = arith.constant 2 : i32
      %eq3A = arith.constant 0 : i32
      %eq3A_20 = arith.cmpi eq, %jit3A_19, %eq3A : i32
      %jit3A_21 = arith.constant 1 : i32
      %select_n3A_22 = arith.select %eq3A_20, %jit3A_21, %jit3A_19 : i32
      %rem3A_23 = arith.remsi %add3A, %select_n3A_22 : i32
      %ne3A_24 = arith.constant 0 : i32
      %ne3A_25 = arith.cmpi ne, %rem3A_23, %ne3A_24 : i32
      %lt3A_26 = arith.constant 0 : i32
      %lt3A_27 = arith.cmpi slt, %rem3A_23, %lt3A_26 : i32
      %lt3A_28 = arith.constant 0 : i32
      %lt3A_29 = arith.cmpi slt, %select_n3A_22, %lt3A_28 : i32
      %ne3A_30 = arith.xori %lt3A_27, %lt3A_29 : i1
      %and3A_31 = arith.andi %ne3A_30, %ne3A_25 : i1
      %add3A_32 = arith.addi %rem3A_23, %select_n3A_22 : i32
      %select_n3A_33 = arith.select %and3A_31, %add3A_32, %rem3A_23 : i32
      "tpu.region"() ({
        %run_scoped3A = tpu.sem_alloc : memref<!tpu.dma_semaphore, #tpu.memory_space<semaphore_mem>>
        %dma_start3A = arith.constant 0 : i32
        %dma_start3A_53 = tpu.memref_slice %arg2[%select_n3A, %select_n3A_33, %dma_start3A] : memref<2x8x2048xf32, #tpu.memory_space<hbm>> -> memref<1x1x2048xf32, #tpu.memory_space<hbm>>
        %dma_start3A_54 = tpu.memref_squeeze %dma_start3A_53 : memref<1x1x2048xf32, #tpu.memory_space<hbm>> -> memref<2048xf32, #tpu.memory_space<hbm>>
        %dma_start3A_55 = arith.constant 0 : i32
        %dma_start3A_56 = tpu.memref_slice %arg2[%select_n3A, %select_n3A_33, %dma_start3A_55] : memref<2x8x2048xf32, #tpu.memory_space<hbm>> -> memref<1x1x2048xf32, #tpu.memory_space<hbm>>
        %dma_start3A_57 = tpu.memref_squeeze %dma_start3A_56 : memref<1x1x2048xf32, #tpu.memory_space<hbm>> -> memref<2048xf32, #tpu.memory_space<hbm>>
        tpu.enqueue_dma source(%dma_start3A_57 : memref<2048xf32, #tpu.memory_space<hbm>>) target(%arg4 : memref<2048xf32, #tpu.memory_space<vmem>>) target_semaphore(%run_scoped3A : memref<!tpu.dma_semaphore, #tpu.memory_space<semaphore_mem>>)
        %dma_wait3A = arith.constant 0 : i32
        %dma_wait3A_58 = tpu.memref_slice %arg2[%select_n3A, %select_n3A_33, %dma_wait3A] : memref<2x8x2048xf32, #tpu.memory_space<hbm>> -> memref<1x1x2048xf32, #tpu.memory_space<hbm>>
        %dma_wait3A_59 = tpu.memref_squeeze %dma_wait3A_58 : memref<1x1x2048xf32, #tpu.memory_space<hbm>> -> memref<2048xf32, #tpu.memory_space<hbm>>
        %dma_wait3A_60 = arith.constant 0 : i32
        %dma_wait3A_61 = tpu.memref_slice %arg2[%select_n3A, %select_n3A_33, %dma_wait3A_60] : memref<2x8x2048xf32, #tpu.memory_space<hbm>> -> memref<1x1x2048xf32, #tpu.memory_space<hbm>>
        %dma_wait3A_62 = tpu.memref_squeeze %dma_wait3A_61 : memref<1x1x2048xf32, #tpu.memory_space<hbm>> -> memref<2048xf32, #tpu.memory_space<hbm>>
        tpu.wait_dma2 semaphore(%run_scoped3A : memref<!tpu.dma_semaphore, #tpu.memory_space<semaphore_mem>>) src(%dma_wait3A_62 : memref<2048xf32, #tpu.memory_space<hbm>>) dst(%arg4 : memref<2048xf32, #tpu.memory_space<vmem>>)
        tpu.yield
      }) : () -> ()
      %iota3A = tpu.iota {dimensions = array<i32: 0>} : vector<16xi32>
      %broadcast_in_dim3A = arith.constant 0 : i32
      %broadcast_in_dim3A_34 = vector.broadcast %broadcast_in_dim3A : i32 to vector<16xi32>
      %swap3A = arith.constant 0 : index
      %swap3A_35 = tpu.vector_load %arg6[%swap3A] {strides = array<i32>} : memref<64xi32, #tpu.memory_space<vmem>>, vector<16xi32>,
      tpu.vector_store %arg6[%swap3A], %broadcast_in_dim3A_34 {strides = array<i32>} : memref<64xi32, #tpu.memory_space<vmem>>, vector<16xi32>,
      %broadcast_in_dim3A_36 = arith.constant 0 : i32
      %broadcast_in_dim3A_37 = vector.broadcast %broadcast_in_dim3A_36 : i32 to vector<16xi32>
      %swap3A_38 = arith.constant 16 : index
      %swap3A_39 = tpu.vector_load %arg6[%swap3A_38] {strides = array<i32>} : memref<64xi32, #tpu.memory_space<vmem>>, vector<16xi32>,
      tpu.vector_store %arg6[%swap3A_38], %broadcast_in_dim3A_37 {strides = array<i32>} : memref<64xi32, #tpu.memory_space<vmem>>, vector<16xi32>,
      %broadcast_in_dim3A_40 = arith.constant 0 : i32
      %broadcast_in_dim3A_41 = vector.broadcast %broadcast_in_dim3A_40 : i32 to vector<16xi32>
      %swap3A_42 = arith.constant 32 : index
      %swap3A_43 = tpu.vector_load %arg6[%swap3A_42] {strides = array<i32>} : memref<64xi32, #tpu.memory_space<vmem>>, vector<16xi32>,
      tpu.vector_store %arg6[%swap3A_42], %broadcast_in_dim3A_41 {strides = array<i32>} : memref<64xi32, #tpu.memory_space<vmem>>, vector<16xi32>,
      %broadcast_in_dim3A_44 = arith.constant 0 : i32
      %broadcast_in_dim3A_45 = vector.broadcast %broadcast_in_dim3A_44 : i32 to vector<16xi32>
      %swap3A_46 = arith.constant 48 : index
      %swap3A_47 = tpu.vector_load %arg6[%swap3A_46] {strides = array<i32>} : memref<64xi32, #tpu.memory_space<vmem>>, vector<16xi32>,
      tpu.vector_store %arg6[%swap3A_46], %broadcast_in_dim3A_45 {strides = array<i32>} : memref<64xi32, #tpu.memory_space<vmem>>, vector<16xi32>,
      %scan3A = arith.constant 0 : i32
      %scan3A_48 = arith.constant 0 : i32
      %scan3A_49 = arith.constant 128 : i32
      %scan3A_50 = arith.addi %scan3A_48, %scan3A_49 : i32
      %scan3A_51 = arith.constant 1 : i32
      scf.for %scan3A_53 = %scan3A_48 to %scan3A_50 step %scan3A_51  : i32 {
        %mul3A_54 = arith.constant 16 : i32
        %mul3A_55 = arith.muli %scan3A_53, %mul3A_54 : i32
        %get3A = arith.index_cast %mul3A_55 : i32 to index
        %get3A_56 = tpu.vector_load %arg4[%get3A] {strides = array<i32>} : memref<2048xf32, #tpu.memory_space<vmem>>, vector<16xf32>,
        %convert_element_type3A_57 = arith.fptosi %get3A_56 : vector<16xf32> to vector<16xi32>
        %mul3A_58 = arith.constant 16 : i32
        %mul3A_59 = vector.broadcast %mul3A_58 : i32 to vector<16xi32>
        %mul3A_60 = arith.muli %convert_element_type3A_57, %mul3A_59 : vector<16xi32>
        %add3A_61 = arith.addi %mul3A_60, %iota3A : vector<16xi32>
        %masked_sort3A = arith.constant dense<true> : vector<16xi1>
        %masked_sort3A_62 = arith.constant -2147483648 : i32
        %masked_sort3A_63 = vector.broadcast %masked_sort3A_62 : i32 to vector<16xi32>
        %masked_sort3A_64 = arith.xori %add3A_61, %masked_sort3A_63 : vector<16xi32>
        %masked_sort3A_65, %masked_sort3A_66, %masked_sort3A_67 = tpu.sort %masked_sort3A_64, %iota3A masked %masked_sort3A : (vector<16xi32>, vector<16xi32>, vector<16xi1>) -> (vector<16xi1>, vector<16xi32>, vector<16xi32>)
        %masked_sort3A_68 = arith.xori %masked_sort3A_66, %masked_sort3A_63 : vector<16xi32>
        %shift_right_logical3A = arith.constant 4 : i32
        %shift_right_logical3A_69 = vector.broadcast %shift_right_logical3A : i32 to vector<16xi32>
        %shift_right_logical3A_70 = arith.shrui %masked_sort3A_68, %shift_right_logical3A_69 : vector<16xi32>
        %and3A_71 = arith.constant 15 : i32
        %and3A_72 = vector.broadcast %and3A_71 : i32 to vector<16xi32>
        %and3A_73 = arith.andi %masked_sort3A_68, %and3A_72 : vector<16xi32>
        %swap3A_74 = arith.constant 0 : index
        %swap3A_75 = tpu.vector_load %arg7[%swap3A_74] {strides = array<i32>} : memref<16xi32, #tpu.memory_space<vmem>>, vector<16xi32>,
        tpu.vector_store %arg7[%swap3A_74], %shift_right_logical3A_70 {strides = array<i32>} : memref<16xi32, #tpu.memory_space<vmem>>, vector<16xi32>,
        %sub3A_76 = arith.constant 1 : i32
        %sub3A_77 = vector.broadcast %sub3A_76 : i32 to vector<16xi32>
        %sub3A_78 = arith.subi %iota3A, %sub3A_77 : vector<16xi32>
        %max3A = arith.constant 0 : i32
        %max3A_79 = vector.broadcast %max3A : i32 to vector<16xi32>
        %max3A_80 = arith.maxsi %sub3A_78, %max3A_79 : vector<16xi32>
        %gather3A = tpu.vector_load_idx %arg7[%max3A_80] : memref<16xi32, #tpu.memory_space<vmem>>[vector<16xi32>], vector<16xi32>,
        %ne3A_81 = arith.cmpi ne, %shift_right_logical3A_70, %gather3A : vector<16xi32>
        %eq3A_82 = arith.constant 0 : i32
        %eq3A_83 = vector.broadcast %eq3A_82 : i32 to vector<16xi32>
        %eq3A_84 = arith.cmpi eq, %iota3A, %eq3A_83 : vector<16xi32>
        %or3A = arith.ori %ne3A_81, %eq3A_84 : vector<16xi1>
        %jit3A_85 = arith.constant 0 : i32
        %broadcast_in_dim3A_86 = vector.broadcast %jit3A_85 : i32 to vector<16xi32>
        %select_n3A_87 = arith.select %or3A, %iota3A, %broadcast_in_dim3A_86 : vector<16xi1>, vector<16xi32>
        %broadcast_in_dim3A_88 = arith.constant true
        %broadcast_in_dim3A_89 = vector.broadcast %broadcast_in_dim3A_88 : i1 to vector<16xi1>
        %masked_cummax3A = arith.constant -2147483648 : i32
        %masked_cummax3A_90 = vector.broadcast %masked_cummax3A : i32 to vector<16xi32>
        %masked_cummax3A_91 = arith.xori %select_n3A_87, %masked_cummax3A_90 : vector<16xi32>
        %masked_cummax3A_92 = tpu.scan <max>, %masked_cummax3A_91 masked %broadcast_in_dim3A_89 : vector<16xi32>, vector<16xi1> -> vector<16xi32>
        %masked_cummax3A_93 = arith.xori %masked_cummax3A_92, %masked_cummax3A_90 : vector<16xi32>
        %sub3A_94 = arith.subi %iota3A, %masked_cummax3A_93 : vector<16xi32>
        %gather3A_95 = tpu.vector_load_idx %arg6[%shift_right_logical3A_70] : memref<64xi32, #tpu.memory_space<vmem>>[vector<16xi32>], vector<16xi32>,
        %add3A_96 = arith.addi %gather3A_95, %sub3A_94 : vector<16xi32>
        %mul3A_97 = arith.constant 16 : i32
        %mul3A_98 = arith.muli %scan3A_53, %mul3A_97 : i32
        %add3A_99 = vector.broadcast %mul3A_98 : i32 to vector<16xi32>
        %add3A_100 = arith.addi %add3A_99, %and3A_73 : vector<16xi32>
        %convert_element_type3A_101 = arith.sitofp %add3A_96 : vector<16xi32> to vector<16xf32>
        tpu.vector_store_idx %arg5[%add3A_100], %convert_element_type3A_101 : memref<2048xf32, #tpu.memory_space<vmem>>[vector<16xi32>], vector<16xf32>,
        %add3A_102 = arith.constant 1 : i32
        %add3A_103 = vector.broadcast %add3A_102 : i32 to vector<16xi32>
        %add3A_104 = arith.addi %iota3A, %add3A_103 : vector<16xi32>
        %min3A = arith.constant 15 : i32
        %min3A_105 = vector.broadcast %min3A : i32 to vector<16xi32>
        %min3A_106 = arith.minsi %add3A_104, %min3A_105 : vector<16xi32>
        %gather3A_107 = tpu.vector_load_idx %arg7[%min3A_106] : memref<16xi32, #tpu.memory_space<vmem>>[vector<16xi32>], vector<16xi32>,
        %ne3A_108 = arith.cmpi ne, %shift_right_logical3A_70, %gather3A_107 : vector<16xi32>
        %eq3A_109 = arith.constant 15 : i32
        %eq3A_110 = vector.broadcast %eq3A_109 : i32 to vector<16xi32>
        %eq3A_111 = arith.cmpi eq, %iota3A, %eq3A_110 : vector<16xi32>
        %or3A_112 = arith.ori %ne3A_108, %eq3A_111 : vector<16xi1>
        %add3A_113 = arith.constant 1 : i32
        %add3A_114 = vector.broadcast %add3A_113 : i32 to vector<16xi32>
        %add3A_115 = arith.addi %add3A_96, %add3A_114 : vector<16xi32>
        tpu.vector_store_idx %arg6[%shift_right_logical3A_70], %add3A_115 masked %or3A_112 : memref<64xi32, #tpu.memory_space<vmem>>[vector<16xi32>], vector<16xi32>, vector<16xi1>
      }
      %scan3A_52 = arith.constant 128 : i32
      "tpu.region"() ({
        %run_scoped3A = tpu.sem_alloc : memref<!tpu.dma_semaphore, #tpu.memory_space<semaphore_mem>>
        %dma_start3A = arith.constant 0 : i32
        %dma_start3A_53 = tpu.memref_slice %arg3[%select_n3A, %select_n3A_33, %dma_start3A] : memref<2x8x2048xf32, #tpu.memory_space<hbm>> -> memref<1x1x2048xf32, #tpu.memory_space<hbm>>
        %dma_start3A_54 = tpu.memref_squeeze %dma_start3A_53 : memref<1x1x2048xf32, #tpu.memory_space<hbm>> -> memref<2048xf32, #tpu.memory_space<hbm>>
        %dma_start3A_55 = arith.constant 0 : i32
        %dma_start3A_56 = tpu.memref_slice %arg3[%select_n3A, %select_n3A_33, %dma_start3A_55] : memref<2x8x2048xf32, #tpu.memory_space<hbm>> -> memref<1x1x2048xf32, #tpu.memory_space<hbm>>
        %dma_start3A_57 = tpu.memref_squeeze %dma_start3A_56 : memref<1x1x2048xf32, #tpu.memory_space<hbm>> -> memref<2048xf32, #tpu.memory_space<hbm>>
        tpu.enqueue_dma source(%arg5 : memref<2048xf32, #tpu.memory_space<vmem>>) target(%dma_start3A_57 : memref<2048xf32, #tpu.memory_space<hbm>>) target_semaphore(%run_scoped3A : memref<!tpu.dma_semaphore, #tpu.memory_space<semaphore_mem>>)
        %dma_wait3A = arith.constant 0 : i32
        %dma_wait3A_58 = tpu.memref_slice %arg3[%select_n3A, %select_n3A_33, %dma_wait3A] : memref<2x8x2048xf32, #tpu.memory_space<hbm>> -> memref<1x1x2048xf32, #tpu.memory_space<hbm>>
        %dma_wait3A_59 = tpu.memref_squeeze %dma_wait3A_58 : memref<1x1x2048xf32, #tpu.memory_space<hbm>> -> memref<2048xf32, #tpu.memory_space<hbm>>
        %dma_wait3A_60 = arith.constant 0 : i32
        %dma_wait3A_61 = tpu.memref_slice %arg3[%select_n3A, %select_n3A_33, %dma_wait3A_60] : memref<2x8x2048xf32, #tpu.memory_space<hbm>> -> memref<1x1x2048xf32, #tpu.memory_space<hbm>>
        %dma_wait3A_62 = tpu.memref_squeeze %dma_wait3A_61 : memref<1x1x2048xf32, #tpu.memory_space<hbm>> -> memref<2048xf32, #tpu.memory_space<hbm>>
        tpu.wait_dma2 semaphore(%run_scoped3A : memref<!tpu.dma_semaphore, #tpu.memory_space<semaphore_mem>>) src(%arg5 : memref<2048xf32, #tpu.memory_space<vmem>>) dst(%dma_wait3A_62 : memref<2048xf32, #tpu.memory_space<hbm>>)
        tpu.yield
      }) : () -> ()
    } else {
    }
    return
  }
}

module attributes {stable_mosaic.version = 14 : i64} {
  func.func @_expand_block(%arg0: i32, %arg1: i32, %arg2: memref<1x8x256xf32, #tpu.memory_space<vmem>>, %arg3: memref<1x8x256xf32, #tpu.memory_space<vmem>>, %arg4: memref<1x8x64xf32, #tpu.memory_space<vmem>>, %arg5: memref<8x64xf32, #tpu.memory_space<vmem>>, %arg6: memref<64x80xf32, #tpu.memory_space<vmem>>, %arg7: memref<1x64x80x256xf32, #tpu.memory_space<vmem>>, %arg8: memref<1x64x80x256xf32, #tpu.memory_space<vmem>>) attributes {dimension_semantics = [#tpu.dimension_semantics<parallel>, #tpu.dimension_semantics<arbitrary>], iteration_bounds = array<i64: 2, 8>, scalar_prefetch = 0 : i64, scratch_operands = 0 : i64, tpu.core_type = #tpu.core_type<tc>, window_params = [{transform_indices = @transform_0, window_bounds = array<i64: 1, 8, 256>}, {transform_indices = @transform_1, window_bounds = array<i64: 1, 8, 256>}, {transform_indices = @transform_2, window_bounds = array<i64: 1, 8, 64>}, {pipeline_mode = #tpu.pipeline_mode<synchronous>, transform_indices = @transform_3, window_bounds = array<i64: 8, 64>}, {pipeline_mode = #tpu.pipeline_mode<synchronous>, transform_indices = @transform_4, window_bounds = array<i64: 64, 80>}, {transform_indices = @transform_5, window_bounds = array<i64: 1, 64, 80, 256>}, {transform_indices = @transform_6, window_bounds = array<i64: 1, 64, 80, 256>}]} {
    %get3A = arith.constant 0 : index
    %get3A_0 = arith.constant 0 : index
    %get3A_1 = arith.constant 0 : index
    %get3A_2 = vector.load %arg2[%get3A, %get3A_0, %get3A_1] : memref<1x8x256xf32, #tpu.memory_space<vmem>>, vector<1x8x256xf32>
    %get3A_3 = vector.shape_cast %get3A_2 : vector<1x8x256xf32> to vector<8x256xf32>
    %slice3A = vector.extract_strided_slice %get3A_3 {offsets = [0, 0], sizes = [1, 256], strides = [1, 1]} : vector<8x256xf32> to vector<1x256xf32>
    %slice3A_4 = vector.extract_strided_slice %get3A_3 {offsets = [1, 0], sizes = [1, 256], strides = [1, 1]} : vector<8x256xf32> to vector<1x256xf32>
    %slice3A_5 = vector.extract_strided_slice %get3A_3 {offsets = [4, 0], sizes = [1, 256], strides = [1, 1]} : vector<8x256xf32> to vector<1x256xf32>
    %slice3A_6 = vector.extract_strided_slice %get3A_3 {offsets = [5, 0], sizes = [1, 256], strides = [1, 1]} : vector<8x256xf32> to vector<1x256xf32>
    %get3A_7 = arith.constant 0 : index
    %get3A_8 = arith.constant 0 : index
    %get3A_9 = arith.constant 0 : index
    %get3A_10 = vector.load %arg3[%get3A_7, %get3A_8, %get3A_9] : memref<1x8x256xf32, #tpu.memory_space<vmem>>, vector<1x1x256xf32>
    %get3A_11 = vector.shape_cast %get3A_10 : vector<1x1x256xf32> to vector<1x256xf32>
    %get3A_12 = arith.constant 0 : index
    %get3A_13 = arith.constant 1 : index
    %get3A_14 = arith.constant 0 : index
    %get3A_15 = vector.load %arg3[%get3A_12, %get3A_13, %get3A_14] : memref<1x8x256xf32, #tpu.memory_space<vmem>>, vector<1x1x256xf32>
    %get3A_16 = vector.shape_cast %get3A_15 : vector<1x1x256xf32> to vector<1x256xf32>
    %iota3A = tpu.iota {dimensions = array<i32: 0>} : vector<64x256xi32>
    %convert_element_type3A = arith.fptosi %slice3A_4 : vector<1x256xf32> to vector<1x256xi32>
    %eq3A = vector.broadcast %convert_element_type3A : vector<1x256xi32> to vector<64x256xi32>
    %eq3A_17 = arith.cmpi eq, %iota3A, %eq3A : vector<64x256xi32>
    %convert_element_type3A_18 = arith.extui %eq3A_17 : vector<64x256xi1> to vector<64x256xi32>
    %convert_element_type3A_19 = arith.sitofp %convert_element_type3A_18 : vector<64x256xi32> to vector<64x256xf32>
    %get3A_20 = arith.constant 0 : index
    %get3A_21 = arith.constant 0 : index
    %get3A_22 = arith.constant 0 : index
    %get3A_23 = vector.load %arg4[%get3A_20, %get3A_21, %get3A_22] : memref<1x8x64xf32, #tpu.memory_space<vmem>>, vector<1x1x64xf32>
    %get3A_24 = vector.shape_cast %get3A_23 : vector<1x1x64xf32> to vector<1x64xf32>
    %dot_general3A = arith.constant dense<0.000000e+00> : vector<1x256xf32>
    %dot_general3A_25 = tpu.matmul %get3A_24, %convert_element_type3A_19, %dot_general3A {dimension_numbers = #tpu.dot_dimension_numbers<[1], [0], [0], [1], [0, 0, 1, 1], [], []>, precision = #tpu.contract_precision<fp32>, transpose_lhs_hint = false} : vector<1x64xf32>, vector<64x256xf32>, vector<1x256xf32> -> vector<1x256xf32>
    %add3A = arith.addf %get3A_16, %dot_general3A_25 : vector<1x256xf32>
    %get3A_26 = arith.constant 0 : index
    %get3A_27 = arith.constant 0 : index
    %get3A_28 = vector.load %arg5[%get3A_26, %get3A_27] : memref<8x64xf32, #tpu.memory_space<vmem>>, vector<1x1xf32>
    %min3A = arith.constant 8.000000e+01 : f32
    %min3A_29 = vector.broadcast %min3A : f32 to vector<1x1xf32>
    %min3A_30 = arith.minimumf %get3A_28, %min3A_29 : vector<1x1xf32>
    %lt3A = vector.broadcast %min3A_30 : vector<1x1xf32> to vector<1x256xf32>
    %lt3A_31 = arith.cmpf olt, %get3A_11, %lt3A : vector<1x256xf32>
    %mul3A = arith.constant 8.000000e+01 : f32
    %mul3A_32 = vector.broadcast %mul3A : f32 to vector<1x256xf32>
    %mul3A_33 = arith.mulf %slice3A, %mul3A_32 : vector<1x256xf32>
    %add3A_34 = arith.addf %mul3A_33, %get3A_11 : vector<1x256xf32>
    %jit3A = arith.constant -1.000000e+00 : f32
    %broadcast_in_dim3A = vector.broadcast %jit3A : f32 to vector<1x256xf32>
    %select_n3A = arith.select %lt3A_31, %add3A_34, %broadcast_in_dim3A : vector<1x256xi1>, vector<1x256xf32>
    %lt3A_35 = vector.broadcast %min3A_30 : vector<1x1xf32> to vector<1x256xf32>
    %lt3A_36 = arith.cmpf olt, %add3A, %lt3A_35 : vector<1x256xf32>
    %mul3A_37 = arith.constant 8.000000e+01 : f32
    %mul3A_38 = vector.broadcast %mul3A_37 : f32 to vector<1x256xf32>
    %mul3A_39 = arith.mulf %slice3A_4, %mul3A_38 : vector<1x256xf32>
    %add3A_40 = arith.addf %mul3A_39, %add3A : vector<1x256xf32>
    %jit3A_41 = arith.constant -1.000000e+00 : f32
    %broadcast_in_dim3A_42 = vector.broadcast %jit3A_41 : f32 to vector<1x256xf32>
    %select_n3A_43 = arith.select %lt3A_36, %add3A_40, %broadcast_in_dim3A_42 : vector<1x256xi1>, vector<1x256xf32>
    %get3A_44 = arith.constant 0 : index
    %get3A_45 = arith.constant 0 : index
    %get3A_46 = vector.load %arg6[%get3A_44, %get3A_45] : memref<64x80xf32, #tpu.memory_space<vmem>>, vector<64x80xf32>
    %broadcast_in_dim3A_47 = vector.shape_cast %get3A_46 : vector<64x80xf32> to vector<64x80x1xf32>
    %squeeze3A = vector.shape_cast %select_n3A : vector<1x256xf32> to vector<256xf32>
    %broadcast_in_dim3A_48 = vector.shape_cast %squeeze3A : vector<256xf32> to vector<1x1x256xf32>
    %eq3A_49 = vector.broadcast %broadcast_in_dim3A_47 : vector<64x80x1xf32> to vector<64x80x256xf32>
    %eq3A_50 = vector.broadcast %broadcast_in_dim3A_48 : vector<1x1x256xf32> to vector<64x80x256xf32>
    %eq3A_51 = arith.cmpf oeq, %eq3A_49, %eq3A_50 : vector<64x80x256xf32>
    %squeeze3A_52 = vector.shape_cast %select_n3A_43 : vector<1x256xf32> to vector<256xf32>
    %broadcast_in_dim3A_53 = vector.shape_cast %squeeze3A_52 : vector<256xf32> to vector<1x1x256xf32>
    %eq3A_54 = vector.broadcast %broadcast_in_dim3A_47 : vector<64x80x1xf32> to vector<64x80x256xf32>
    %eq3A_55 = vector.broadcast %broadcast_in_dim3A_53 : vector<1x1x256xf32> to vector<64x80x256xf32>
    %eq3A_56 = arith.cmpf oeq, %eq3A_54, %eq3A_55 : vector<64x80x256xf32>
    %broadcast_in_dim3A_57 = arith.constant 0.000000e+00 : f32
    %broadcast_in_dim3A_58 = vector.broadcast %broadcast_in_dim3A_57 : f32 to vector<64x80x256xf32>
    %or3A = arith.ori %eq3A_51, %eq3A_56 : vector<64x80x256xi1>
    %jit3A_59 = arith.constant 1.000000e+00 : f32
    %broadcast_in_dim3A_60 = vector.broadcast %jit3A_59 : f32 to vector<64x80x256xf32>
    %select_n3A_61 = arith.select %or3A, %broadcast_in_dim3A_60, %broadcast_in_dim3A_58 : vector<64x80x256xi1>, vector<64x80x256xf32>
    %swap3A = arith.constant 0 : index
    %swap3A_62 = arith.constant 0 : index
    %swap3A_63 = arith.constant 0 : index
    %swap3A_64 = arith.constant 0 : index
    %swap3A_65 = vector.load %arg7[%swap3A, %swap3A_62, %swap3A_63, %swap3A_64] : memref<1x64x80x256xf32, #tpu.memory_space<vmem>>, vector<1x64x80x256xf32>
    %swap3A_66 = vector.shape_cast %swap3A_65 : vector<1x64x80x256xf32> to vector<64x80x256xf32>
    %swap3A_67 = vector.shape_cast %select_n3A_61 : vector<64x80x256xf32> to vector<1x64x80x256xf32>
    tpu.vector_store %arg7[%swap3A, %swap3A_62, %swap3A_63, %swap3A_64], %swap3A_67 {strides = array<i32>} : memref<1x64x80x256xf32, #tpu.memory_space<vmem>>, vector<1x64x80x256xf32>,
    %squeeze3A_68 = vector.shape_cast %slice3A_5 : vector<1x256xf32> to vector<256xf32>
    %broadcast_in_dim3A_69 = vector.shape_cast %squeeze3A_68 : vector<256xf32> to vector<1x1x256xf32>
    %squeeze3A_70 = vector.shape_cast %slice3A_6 : vector<1x256xf32> to vector<256xf32>
    %broadcast_in_dim3A_71 = vector.shape_cast %squeeze3A_70 : vector<256xf32> to vector<1x1x256xf32>
    %broadcast_in_dim3A_72 = vector.shape_cast %broadcast_in_dim3A_71 : vector<1x1x256xf32> to vector<1x1x256xf32>
    %broadcast_in_dim3A_73 = vector.broadcast %broadcast_in_dim3A_72 : vector<1x1x256xf32> to vector<64x80x256xf32>
    %select_n3A_74 = arith.select %eq3A_56, %broadcast_in_dim3A_73, %broadcast_in_dim3A_58 : vector<64x80x256xi1>, vector<64x80x256xf32>
    %broadcast_in_dim3A_75 = vector.shape_cast %broadcast_in_dim3A_69 : vector<1x1x256xf32> to vector<1x1x256xf32>
    %broadcast_in_dim3A_76 = vector.broadcast %broadcast_in_dim3A_75 : vector<1x1x256xf32> to vector<64x80x256xf32>
    %select_n3A_77 = arith.select %eq3A_51, %broadcast_in_dim3A_76, %select_n3A_74 : vector<64x80x256xi1>, vector<64x80x256xf32>
    %swap3A_78 = arith.constant 0 : index
    %swap3A_79 = arith.constant 0 : index
    %swap3A_80 = arith.constant 0 : index
    %swap3A_81 = arith.constant 0 : index
    %swap3A_82 = vector.load %arg8[%swap3A_78, %swap3A_79, %swap3A_80, %swap3A_81] : memref<1x64x80x256xf32, #tpu.memory_space<vmem>>, vector<1x64x80x256xf32>
    %swap3A_83 = vector.shape_cast %swap3A_82 : vector<1x64x80x256xf32> to vector<64x80x256xf32>
    %swap3A_84 = vector.shape_cast %select_n3A_77 : vector<64x80x256xf32> to vector<1x64x80x256xf32>
    tpu.vector_store %arg8[%swap3A_78, %swap3A_79, %swap3A_80, %swap3A_81], %swap3A_84 {strides = array<i32>} : memref<1x64x80x256xf32, #tpu.memory_space<vmem>>, vector<1x64x80x256xf32>,
    return
  }
  func.func @transform_0(%arg0: i32, %arg1: i32) -> (i32, i32, i32) {
    %c0_i32 = arith.constant 0 : i32
    %c0_i32_0 = arith.constant 0 : i32
    return %arg0, %c0_i32, %arg1 : i32, i32, i32
  }
  func.func @transform_1(%arg0: i32, %arg1: i32) -> (i32, i32, i32) {
    %c0_i32 = arith.constant 0 : i32
    %c0_i32_0 = arith.constant 0 : i32
    return %arg0, %c0_i32, %arg1 : i32, i32, i32
  }
  func.func @transform_2(%arg0: i32, %arg1: i32) -> (i32, i32, i32) {
    %c0_i32 = arith.constant 0 : i32
    %c0_i32_0 = arith.constant 0 : i32
    %c0_i32_1 = arith.constant 0 : i32
    return %arg0, %c0_i32, %c0_i32_0 : i32, i32, i32
  }
  func.func @transform_3(%arg0: i32, %arg1: i32) -> (i32, i32) {
    %c0_i32 = arith.constant 0 : i32
    %c0_i32_0 = arith.constant 0 : i32
    %c0_i32_1 = arith.constant 0 : i32
    return %c0_i32, %c0_i32_0 : i32, i32
  }
  func.func @transform_4(%arg0: i32, %arg1: i32) -> (i32, i32) {
    %c0_i32 = arith.constant 0 : i32
    %c0_i32_0 = arith.constant 0 : i32
    %c0_i32_1 = arith.constant 0 : i32
    return %c0_i32, %c0_i32_0 : i32, i32
  }
  func.func @transform_5(%arg0: i32, %arg1: i32) -> (i32, i32, i32, i32) {
    %c0_i32 = arith.constant 0 : i32
    %c0_i32_0 = arith.constant 0 : i32
    %c0_i32_1 = arith.constant 0 : i32
    return %arg0, %c0_i32, %c0_i32_0, %arg1 : i32, i32, i32, i32
  }
  func.func @transform_6(%arg0: i32, %arg1: i32) -> (i32, i32, i32, i32) {
    %c0_i32 = arith.constant 0 : i32
    %c0_i32_0 = arith.constant 0 : i32
    %c0_i32_1 = arith.constant 0 : i32
    return %arg0, %c0_i32, %c0_i32_0, %arg1 : i32, i32, i32, i32
  }
}

module attributes {stable_mosaic.version = 14 : i64} {
  func.func @_route_block(%arg0: i32, %arg1: i32, %arg2: memref<1x512x4096xf32, #tpu.memory_space<vmem>>, %arg3: memref<4096x64xf32, #tpu.memory_space<vmem>>, %arg4: memref<1x8x512xf32, #tpu.memory_space<vmem>>, %arg5: memref<1x8x64xf32, #tpu.memory_space<vmem>>) attributes {dimension_semantics = [#tpu.dimension_semantics<arbitrary>, #tpu.dimension_semantics<arbitrary>], iteration_bounds = array<i64: 2, 4>, scalar_prefetch = 0 : i64, scratch_operands = 0 : i64, tpu.core_type = #tpu.core_type<tc>, window_params = [{transform_indices = @transform_0, window_bounds = array<i64: 1, 512, 4096>}, {pipeline_mode = #tpu.pipeline_mode<synchronous>, transform_indices = @transform_1, window_bounds = array<i64: 4096, 64>}, {transform_indices = @transform_2, window_bounds = array<i64: 1, 8, 512>}, {transform_indices = @transform_3, window_bounds = array<i64: 1, 8, 64>}]} {
    %get3A = arith.constant 0 : index
    %get3A_0 = arith.constant 0 : index
    %get3A_1 = arith.constant 0 : index
    %get3A_2 = vector.load %arg2[%get3A, %get3A_0, %get3A_1] : memref<1x512x4096xf32, #tpu.memory_space<vmem>>, vector<1x512x4096xf32>
    %get3A_3 = vector.shape_cast %get3A_2 : vector<1x512x4096xf32> to vector<512x4096xf32>
    %get3A_4 = arith.constant 0 : index
    %get3A_5 = arith.constant 0 : index
    %get3A_6 = vector.load %arg3[%get3A_4, %get3A_5] : memref<4096x64xf32, #tpu.memory_space<vmem>>, vector<4096x64xf32>
    %dot_general3A = arith.constant dense<0.000000e+00> : vector<512x64xf32>
    %dot_general3A_7 = tpu.matmul %get3A_3, %get3A_6, %dot_general3A {dimension_numbers = #tpu.dot_dimension_numbers<[1], [0], [0], [1], [0, 0, 1, 1], [], []>, transpose_lhs_hint = false} : vector<512x4096xf32>, vector<4096x64xf32>, vector<512x64xf32> -> vector<512x64xf32>
    %iota3A = tpu.iota {dimensions = array<i32: 1>} : vector<512x64xi32>
    %convert_element_type3A = arith.sitofp %iota3A : vector<512x64xi32> to vector<512x64xf32>
    %sub3A = arith.constant 6.400000e+01 : f32
    %sub3A_8 = vector.broadcast %sub3A : f32 to vector<512x64xf32>
    %sub3A_9 = arith.subf %sub3A_8, %convert_element_type3A : vector<512x64xf32>
    %reduce_max3A = arith.constant dense<0xFF800000> : vector<512xf32>
    %reduce_max3A_10 = vector.multi_reduction <maximumf>, %dot_general3A_7, %reduce_max3A [1] : vector<512x64xf32> to vector<512xf32>
    %broadcast_in_dim3A = vector.shape_cast %reduce_max3A_10 : vector<512xf32> to vector<512x1xf32>
    %sub3A_11 = vector.broadcast %broadcast_in_dim3A : vector<512x1xf32> to vector<512x64xf32>
    %sub3A_12 = arith.subf %dot_general3A_7, %sub3A_11 : vector<512x64xf32>
    %exp3A = math.exp %sub3A_12 : vector<512x64xf32>
    %reduce_sum3A = arith.constant dense<0.000000e+00> : vector<512xf32>
    %reduce_sum3A_13 = vector.multi_reduction <add>, %exp3A, %reduce_sum3A [1] : vector<512x64xf32> to vector<512xf32>
    %broadcast_in_dim3A_14 = vector.shape_cast %reduce_sum3A_13 : vector<512xf32> to vector<512x1xf32>
    %div3A = vector.broadcast %broadcast_in_dim3A_14 : vector<512x1xf32> to vector<512x64xf32>
    %div3A_15 = arith.divf %exp3A, %div3A : vector<512x64xf32>
    %log3A = math.log %broadcast_in_dim3A_14 : vector<512x1xf32>
    %add3A = arith.addf %broadcast_in_dim3A, %log3A : vector<512x1xf32>
    %reduce_max3A_16 = arith.constant dense<0xFF800000> : vector<512xf32>
    %reduce_max3A_17 = vector.multi_reduction <maximumf>, %div3A_15, %reduce_max3A_16 [1] : vector<512x64xf32> to vector<512xf32>
    %broadcast_in_dim3A_18 = vector.shape_cast %reduce_max3A_17 : vector<512xf32> to vector<512x1xf32>
    %eq3A = vector.broadcast %broadcast_in_dim3A_18 : vector<512x1xf32> to vector<512x64xf32>
    %eq3A_19 = arith.cmpf oeq, %div3A_15, %eq3A : vector<512x64xf32>
    %convert_element_type3A_20 = arith.extui %eq3A_19 : vector<512x64xi1> to vector<512x64xi32>
    %convert_element_type3A_21 = arith.sitofp %convert_element_type3A_20 : vector<512x64xi32> to vector<512x64xf32>
    %mul3A = arith.mulf %sub3A_9, %convert_element_type3A_21 : vector<512x64xf32>
    %reduce_max3A_22 = arith.constant dense<0xFF800000> : vector<512xf32>
    %reduce_max3A_23 = vector.multi_reduction <maximumf>, %mul3A, %reduce_max3A_22 [1] : vector<512x64xf32> to vector<512xf32>
    %broadcast_in_dim3A_24 = vector.shape_cast %reduce_max3A_23 : vector<512xf32> to vector<512x1xf32>
    %sub3A_25 = arith.constant 6.400000e+01 : f32
    %sub3A_26 = vector.broadcast %sub3A_25 : f32 to vector<512x1xf32>
    %sub3A_27 = arith.subf %sub3A_26, %broadcast_in_dim3A_24 : vector<512x1xf32>
    %eq3A_28 = vector.broadcast %sub3A_27 : vector<512x1xf32> to vector<512x64xf32>
    %eq3A_29 = arith.cmpf oeq, %convert_element_type3A, %eq3A_28 : vector<512x64xf32>
    %convert_element_type3A_30 = arith.extui %eq3A_29 : vector<512x64xi1> to vector<512x64xi32>
    %convert_element_type3A_31 = arith.sitofp %convert_element_type3A_30 : vector<512x64xi32> to vector<512x64xf32>
    %eq3A_32 = vector.broadcast %sub3A_27 : vector<512x1xf32> to vector<512x64xf32>
    %eq3A_33 = arith.cmpf oeq, %convert_element_type3A, %eq3A_32 : vector<512x64xf32>
    %jit3A = arith.constant -1.000000e+00 : f32
    %broadcast_in_dim3A_34 = vector.broadcast %jit3A : f32 to vector<512x64xf32>
    %select_n3A = arith.select %eq3A_33, %broadcast_in_dim3A_34, %div3A_15 : vector<512x64xi1>, vector<512x64xf32>
    %reduce_max3A_35 = arith.constant dense<0xFF800000> : vector<512xf32>
    %reduce_max3A_36 = vector.multi_reduction <maximumf>, %select_n3A, %reduce_max3A_35 [1] : vector<512x64xf32> to vector<512xf32>
    %broadcast_in_dim3A_37 = vector.shape_cast %reduce_max3A_36 : vector<512xf32> to vector<512x1xf32>
    %eq3A_38 = vector.broadcast %broadcast_in_dim3A_37 : vector<512x1xf32> to vector<512x64xf32>
    %eq3A_39 = arith.cmpf oeq, %select_n3A, %eq3A_38 : vector<512x64xf32>
    %convert_element_type3A_40 = arith.extui %eq3A_39 : vector<512x64xi1> to vector<512x64xi32>
    %convert_element_type3A_41 = arith.sitofp %convert_element_type3A_40 : vector<512x64xi32> to vector<512x64xf32>
    %mul3A_42 = arith.mulf %sub3A_9, %convert_element_type3A_41 : vector<512x64xf32>
    %reduce_max3A_43 = arith.constant dense<0xFF800000> : vector<512xf32>
    %reduce_max3A_44 = vector.multi_reduction <maximumf>, %mul3A_42, %reduce_max3A_43 [1] : vector<512x64xf32> to vector<512xf32>
    %broadcast_in_dim3A_45 = vector.shape_cast %reduce_max3A_44 : vector<512xf32> to vector<512x1xf32>
    %sub3A_46 = arith.constant 6.400000e+01 : f32
    %sub3A_47 = vector.broadcast %sub3A_46 : f32 to vector<512x1xf32>
    %sub3A_48 = arith.subf %sub3A_47, %broadcast_in_dim3A_45 : vector<512x1xf32>
    %eq3A_49 = vector.broadcast %sub3A_48 : vector<512x1xf32> to vector<512x64xf32>
    %eq3A_50 = arith.cmpf oeq, %convert_element_type3A, %eq3A_49 : vector<512x64xf32>
    %convert_element_type3A_51 = arith.extui %eq3A_50 : vector<512x64xi1> to vector<512x64xi32>
    %convert_element_type3A_52 = arith.sitofp %convert_element_type3A_51 : vector<512x64xi32> to vector<512x64xf32>
    %mul3A_53 = arith.mulf %convert_element_type3A_31, %div3A_15 : vector<512x64xf32>
    %reduce_sum3A_54 = arith.constant dense<0.000000e+00> : vector<512xf32>
    %reduce_sum3A_55 = vector.multi_reduction <add>, %mul3A_53, %reduce_sum3A_54 [1] : vector<512x64xf32> to vector<512xf32>
    %broadcast_in_dim3A_56 = vector.shape_cast %reduce_sum3A_55 : vector<512xf32> to vector<512x1xf32>
    %mul3A_57 = arith.mulf %convert_element_type3A_52, %div3A_15 : vector<512x64xf32>
    %reduce_sum3A_58 = arith.constant dense<0.000000e+00> : vector<512xf32>
    %reduce_sum3A_59 = vector.multi_reduction <add>, %mul3A_57, %reduce_sum3A_58 [1] : vector<512x64xf32> to vector<512xf32>
    %broadcast_in_dim3A_60 = vector.shape_cast %reduce_sum3A_59 : vector<512xf32> to vector<512x1xf32>
    %eq3A_61 = arith.constant 0 : i32
    %eq3A_62 = arith.cmpi eq, %arg1, %eq3A_61 : i32
    %convert_element_type3A_63 = arith.extui %eq3A_62 : i1 to i32
    %cond3A = arith.constant 0 : i32
    %cond3A_64 = arith.cmpi ne, %convert_element_type3A_63, %cond3A : i32
    scf.if %cond3A_64 {
      %broadcast_in_dim3A_137 = arith.constant 0.000000e+00 : f32
      %broadcast_in_dim3A_138 = vector.broadcast %broadcast_in_dim3A_137 : f32 to vector<8x64xf32>
      %swap3A_139 = arith.constant 0 : index
      %swap3A_140 = arith.constant 0 : index
      %swap3A_141 = arith.constant 0 : index
      %swap3A_142 = vector.load %arg5[%swap3A_139, %swap3A_140, %swap3A_141] : memref<1x8x64xf32, #tpu.memory_space<vmem>>, vector<1x8x64xf32>
      %swap3A_143 = vector.shape_cast %swap3A_142 : vector<1x8x64xf32> to vector<8x64xf32>
      %swap3A_144 = vector.shape_cast %broadcast_in_dim3A_138 : vector<8x64xf32> to vector<1x8x64xf32>
      tpu.vector_store %arg5[%swap3A_139, %swap3A_140, %swap3A_141], %swap3A_144 {strides = array<i32>} : memref<1x8x64xf32, #tpu.memory_space<vmem>>, vector<1x8x64xf32>,
    } else {
    }
    %get3A_65 = arith.constant 0 : index
    %get3A_66 = arith.constant 0 : index
    %get3A_67 = arith.constant 0 : index
    %get3A_68 = vector.load %arg5[%get3A_65, %get3A_66, %get3A_67] : memref<1x8x64xf32, #tpu.memory_space<vmem>>, vector<1x1x64xf32>
    %get3A_69 = vector.shape_cast %get3A_68 : vector<1x1x64xf32> to vector<1x64xf32>
    %reduce_sum3A_70 = arith.constant dense<0.000000e+00> : vector<64xf32>
    %reduce_sum3A_71 = vector.multi_reduction <add>, %convert_element_type3A_31, %reduce_sum3A_70 [0] : vector<512x64xf32> to vector<64xf32>
    %broadcast_in_dim3A_72 = vector.shape_cast %reduce_sum3A_71 : vector<64xf32> to vector<1x64xf32>
    %add3A_73 = arith.addf %get3A_69, %broadcast_in_dim3A_72 : vector<1x64xf32>
    %swap3A = arith.constant 0 : index
    %swap3A_74 = arith.constant 0 : index
    %swap3A_75 = arith.constant 0 : index
    %swap3A_76 = vector.load %arg5[%swap3A, %swap3A_74, %swap3A_75] : memref<1x8x64xf32, #tpu.memory_space<vmem>>, vector<1x1x64xf32>
    %swap3A_77 = vector.shape_cast %swap3A_76 : vector<1x1x64xf32> to vector<1x64xf32>
    %swap3A_78 = vector.shape_cast %add3A_73 : vector<1x64xf32> to vector<1x1x64xf32>
    tpu.vector_store %arg5[%swap3A, %swap3A_74, %swap3A_75], %swap3A_78 {strides = array<i32>} : memref<1x8x64xf32, #tpu.memory_space<vmem>>, vector<1x1x64xf32>,
    %get3A_79 = arith.constant 0 : index
    %get3A_80 = arith.constant 1 : index
    %get3A_81 = arith.constant 0 : index
    %get3A_82 = vector.load %arg5[%get3A_79, %get3A_80, %get3A_81] : memref<1x8x64xf32, #tpu.memory_space<vmem>>, vector<1x1x64xf32>
    %get3A_83 = vector.shape_cast %get3A_82 : vector<1x1x64xf32> to vector<1x64xf32>
    %reduce_sum3A_84 = arith.constant dense<0.000000e+00> : vector<64xf32>
    %reduce_sum3A_85 = vector.multi_reduction <add>, %convert_element_type3A_52, %reduce_sum3A_84 [0] : vector<512x64xf32> to vector<64xf32>
    %broadcast_in_dim3A_86 = vector.shape_cast %reduce_sum3A_85 : vector<64xf32> to vector<1x64xf32>
    %add3A_87 = arith.addf %get3A_83, %broadcast_in_dim3A_86 : vector<1x64xf32>
    %swap3A_88 = arith.constant 0 : index
    %swap3A_89 = arith.constant 1 : index
    %swap3A_90 = arith.constant 0 : index
    %swap3A_91 = vector.load %arg5[%swap3A_88, %swap3A_89, %swap3A_90] : memref<1x8x64xf32, #tpu.memory_space<vmem>>, vector<1x1x64xf32>
    %swap3A_92 = vector.shape_cast %swap3A_91 : vector<1x1x64xf32> to vector<1x64xf32>
    %swap3A_93 = vector.shape_cast %add3A_87 : vector<1x64xf32> to vector<1x1x64xf32>
    tpu.vector_store %arg5[%swap3A_88, %swap3A_89, %swap3A_90], %swap3A_93 {strides = array<i32>} : memref<1x8x64xf32, #tpu.memory_space<vmem>>, vector<1x1x64xf32>,
    %get3A_94 = arith.constant 0 : index
    %get3A_95 = arith.constant 2 : index
    %get3A_96 = arith.constant 0 : index
    %get3A_97 = vector.load %arg5[%get3A_94, %get3A_95, %get3A_96] : memref<1x8x64xf32, #tpu.memory_space<vmem>>, vector<1x1x64xf32>
    %get3A_98 = vector.shape_cast %get3A_97 : vector<1x1x64xf32> to vector<1x64xf32>
    %reduce_sum3A_99 = arith.constant dense<0.000000e+00> : vector<64xf32>
    %reduce_sum3A_100 = vector.multi_reduction <add>, %div3A_15, %reduce_sum3A_99 [0] : vector<512x64xf32> to vector<64xf32>
    %broadcast_in_dim3A_101 = vector.shape_cast %reduce_sum3A_100 : vector<64xf32> to vector<1x64xf32>
    %add3A_102 = arith.addf %get3A_98, %broadcast_in_dim3A_101 : vector<1x64xf32>
    %swap3A_103 = arith.constant 0 : index
    %swap3A_104 = arith.constant 2 : index
    %swap3A_105 = arith.constant 0 : index
    %swap3A_106 = vector.load %arg5[%swap3A_103, %swap3A_104, %swap3A_105] : memref<1x8x64xf32, #tpu.memory_space<vmem>>, vector<1x1x64xf32>
    %swap3A_107 = vector.shape_cast %swap3A_106 : vector<1x1x64xf32> to vector<1x64xf32>
    %swap3A_108 = vector.shape_cast %add3A_102 : vector<1x64xf32> to vector<1x1x64xf32>
    tpu.vector_store %arg5[%swap3A_103, %swap3A_104, %swap3A_105], %swap3A_108 {strides = array<i32>} : memref<1x8x64xf32, #tpu.memory_space<vmem>>, vector<1x1x64xf32>,
    %mul3A_109 = arith.mulf %add3A, %add3A : vector<512x1xf32>
    %reduce_sum3A_110 = arith.constant dense<0.000000e+00> : vector<1xf32>
    %reduce_sum3A_111 = vector.multi_reduction <add>, %mul3A_109, %reduce_sum3A_110 [0] : vector<512x1xf32> to vector<1xf32>
    %broadcast_in_dim3A_112 = vector.shape_cast %reduce_sum3A_111 : vector<1xf32> to vector<1x1xf32>
    %get3A_113 = arith.constant 0 : index
    %get3A_114 = arith.constant 3 : index
    %get3A_115 = arith.constant 0 : index
    %get3A_116 = vector.load %arg5[%get3A_113, %get3A_114, %get3A_115] : memref<1x8x64xf32, #tpu.memory_space<vmem>>, vector<1x1x64xf32>
    %get3A_117 = vector.shape_cast %get3A_116 : vector<1x1x64xf32> to vector<1x64xf32>
    %div3A_118 = arith.constant 6.400000e+01 : f32
    %div3A_119 = vector.broadcast %div3A_118 : f32 to vector<1x1xf32>
    %div3A_120 = arith.divf %broadcast_in_dim3A_112, %div3A_119 : vector<1x1xf32>
    %add3A_121 = vector.broadcast %div3A_120 : vector<1x1xf32> to vector<1x64xf32>
    %add3A_122 = arith.addf %get3A_117, %add3A_121 : vector<1x64xf32>
    %swap3A_123 = arith.constant 0 : index
    %swap3A_124 = arith.constant 3 : index
    %swap3A_125 = arith.constant 0 : index
    %swap3A_126 = vector.load %arg5[%swap3A_123, %swap3A_124, %swap3A_125] : memref<1x8x64xf32, #tpu.memory_space<vmem>>, vector<1x1x64xf32>
    %swap3A_127 = vector.shape_cast %swap3A_126 : vector<1x1x64xf32> to vector<1x64xf32>
    %swap3A_128 = vector.shape_cast %add3A_122 : vector<1x64xf32> to vector<1x1x64xf32>
    tpu.vector_store %arg5[%swap3A_123, %swap3A_124, %swap3A_125], %swap3A_128 {strides = array<i32>} : memref<1x8x64xf32, #tpu.memory_space<vmem>>, vector<1x1x64xf32>,
    %broadcast_in_dim3A_129 = arith.constant 0.000000e+00 : f32
    %broadcast_in_dim3A_130 = vector.broadcast %broadcast_in_dim3A_129 : f32 to vector<512x1xf32>
    %concatenate3A = tpu.concatenate %sub3A_27, %sub3A_48, %broadcast_in_dim3A_130, %broadcast_in_dim3A_130, %broadcast_in_dim3A_56, %broadcast_in_dim3A_60, %broadcast_in_dim3A_130, %broadcast_in_dim3A_130 in 1 : vector<512x1xf32>, vector<512x1xf32>, vector<512x1xf32>, vector<512x1xf32>, vector<512x1xf32>, vector<512x1xf32>, vector<512x1xf32>, vector<512x1xf32> -> vector<512x8xf32>
    %transpose3A = tpu.transpose %concatenate3A, [1, 0] : vector<512x8xf32> -> vector<8x512xf32>
    %swap3A_131 = arith.constant 0 : index
    %swap3A_132 = arith.constant 0 : index
    %swap3A_133 = arith.constant 0 : index
    %swap3A_134 = vector.load %arg4[%swap3A_131, %swap3A_132, %swap3A_133] : memref<1x8x512xf32, #tpu.memory_space<vmem>>, vector<1x8x512xf32>
    %swap3A_135 = vector.shape_cast %swap3A_134 : vector<1x8x512xf32> to vector<8x512xf32>
    %swap3A_136 = vector.shape_cast %transpose3A : vector<8x512xf32> to vector<1x8x512xf32>
    tpu.vector_store %arg4[%swap3A_131, %swap3A_132, %swap3A_133], %swap3A_136 {strides = array<i32>} : memref<1x8x512xf32, #tpu.memory_space<vmem>>, vector<1x8x512xf32>,
    return
  }
  func.func @transform_0(%arg0: i32, %arg1: i32) -> (i32, i32, i32) {
    %c0_i32 = arith.constant 0 : i32
    %c0_i32_0 = arith.constant 0 : i32
    return %arg0, %arg1, %c0_i32 : i32, i32, i32
  }
  func.func @transform_1(%arg0: i32, %arg1: i32) -> (i32, i32) {
    %c0_i32 = arith.constant 0 : i32
    %c0_i32_0 = arith.constant 0 : i32
    %c0_i32_1 = arith.constant 0 : i32
    return %c0_i32, %c0_i32_0 : i32, i32
  }
  func.func @transform_2(%arg0: i32, %arg1: i32) -> (i32, i32, i32) {
    %c0_i32 = arith.constant 0 : i32
    %c0_i32_0 = arith.constant 0 : i32
    return %arg0, %c0_i32, %arg1 : i32, i32, i32
  }
  func.func @transform_3(%arg0: i32, %arg1: i32) -> (i32, i32, i32) {
    %c0_i32 = arith.constant 0 : i32
    %c0_i32_0 = arith.constant 0 : i32
    %c0_i32_1 = arith.constant 0 : i32
    return %arg0, %c0_i32, %c0_i32_0 : i32, i32, i32
  }
}

</mosaic_0001>

<sc_bundles>
// kernel: kernel.5.cloned.1.call-start
scs
__scs_entry_jumppad:
0x0: {  	(pc) =	sbr.rel $0x88, $3  }
0x1: {  	(tag) =	ssettag $0x0;
	lr =	simm.s32 $0x1  }
0x2: {  	[smem:$0x3F9E] =	sst lr;
	_ =	strace $0xD0000000  }
0x3: {  	_ = 	snop  }
0x4: {  	_ = 	snop  }
0x5: {  	_ = 	snop  }
0x6: {  	_ = 	snop  }
0x7: {  	_ = 	snop  }
__scs_overlays_trampoline_lowered:
0x8: {  	[smem:$0x3FAD] =	sst s0  }
0x9: {  	[smem:$0x3FAE] =	sst s1  }
0xa: {  	[smem:$0x3FAF] =	sst s2  }
0xb: {  	[smem:$0x3FB0] =	sst s3  }
0xc: {  	[smem:$0x3FB1] =	sst s4  }
0xd: {  	[smem:$0x3FB2] =	sst s5  }
0xe: {  	[smem:$0x3FB3] =	sst s6  }
0xf: {  	[smem:$0x3FB4] =	sst s7  }
0x10: {  	[smem:$0x3FB5] =	sst s8  }
0x11: {  	[smem:$0x3FB6] =	sst s9;
	s0 =	simm.s32 @!p0 $0x0  }
0x12: {  	s1 =	sld [smem:$0x3F9C];
	s0 =	simm.s32 @p0 $0x1  }
0x13: {  	[smem:$0x3FB7] =	sst s0;
	s0 =	simm.s32 @!p1 $0x0  }
0x14: {  	s2 =	sld [smem:$0x3F9B];
	s0 =	simm.s32 @p1 $0x1  }
0x15: {  	[smem:$0x3FB8] =	sst s0;
	s0 =	simm.s32 @!p2 $0x0  }
0x16: {  	s3 =	sld [smem:$0x3FDB];
	s0 =	simm.s32 @p2 $0x1  }
0x17: {  	s4 =	simm.s32 $0x1BF5;
	[smem:$0x3FBA] =	sst s0  }
0x18: {  	s0 =	sld [smem:$0x3F9D];
	_ =	swait.ge [sflag:s4], $0x0  }
0x19: {  	s7 =	sld [smem:$0x3F9E]  }
0x1a: {  	s8 =	sadd.s32 $0xFFFFE003, lr  }
0x1b: {  	s9 =	sadd.s32 $0xFFFFFEF7, lr;
	s5 =	simm.s32 $0xFFFFFFFF;
	p2 =	slt.u32 s8, $0xFFFFF086  }
0x1c: {  	p1 =	slt.u32 s9, $0xF7A;
	s5 =	simm.s32 @!p2 $0x0  }
0x1d: {  	s5 =	simm.s32 @p1 $0x1;
	p0 =	seq.s32 s7, s2  }
0x1e: {  	s7 =	smul.u32 @!p0 $0xF7A, s2;
	p2 =	seq.s32 @!p0 s5, $0x0  }
0x1f: {  	s9 =	smul.u32 $0xF7A, s1;
	s8 =	simm.s32 @!p0 $0x1BF5;
	p2 =	por !p2, p0  }
0x20: {  	[sflag:s8] =	ssyncset.s32 @!p0 $0xFFFFF086;
	s6 =	sadd.s32 @!p0 s3, s7;
	s7 =	simm.s32 @!p0 $0x108  }
0x21: {  	s3 =	sadd.s32 s3, s9;
	s6 =	sadd.s32 @!p0 $0x88, s6;
	s7 =	simm.s32 @p2 $0x1082  }
0x22: {  	[simem:s7], [sflag:s8] =	dma.local @!p0 [hbm:s6], $0xF7A  }
0x23: {  	s9 =	sor.u32 $0xD0000000, s2;
	s6 =	simm.s32 $0x108;
	_ =	swait.ge @!p0 [sflag:s8], $0x0  }
0x24: {  	s3 =	sadd.s32 $0x88, s3;
	s6 =	simm.s32 @!p1 $0x1082;
	[sflag:s4] =	ssyncset.s32 $0xFFFFF086  }
0x25: {  	[simem:s6], [sflag:s4] =	dma.local [hbm:s3], $0xF7A  }
0x26: {  	[smem:$0x3F9E] =	sst s1;
	(tag) =	ssettag s2;
	_ =	strace s9  }
0x27: {  	s1 =	sld [smem:$0x3FAE]  }
0x28: {  	s2 =	sld [smem:$0x3FAF]  }
0x29: {  	s4 =	sld [smem:$0x3FB1]  }
0x2a: {  	p0 =	seq.s32 s5, $0x0;
	s5 =	sld [smem:$0x3FB2]  }
0x2b: {  	s6 =	sld [smem:$0x3FB3]  }
0x2c: {  	s7 =	sld [smem:$0x3FB4]  }
0x2d: {  	s3 =	simm.s32 $0x108;
	s8 =	sld [smem:$0x3FB5]  }
0x2e: {  	s3 =	simm.s32 @!p0 $0x1082;
	s9 =	sld [smem:$0x3FB6]  }
0x2f: {  	lr =	sadd.s32 s0, s3;
	s0 =	sld [smem:$0x3FAD]  }
0x30: {  	s3 =	sld [smem:$0x3FB0]  }
0x31: {  	[smem:$0x3FB9] =	sst s10  }
0x32: {  	s10 =	sld [smem:$0x3FB7];
	_ =	sdelay $0x3  }
0x33: {  	p0 =	seq.s32 s10, $0x1;
	s10 =	sld [smem:$0x3FB9];
	_ =	sdelay $0x3  }
0x34: {  	[smem:$0x3FB9] =	sst s10  }
0x35: {  	s10 =	sld [smem:$0x3FB8];
	_ =	sdelay $0x3  }
0x36: {  	p1 =	seq.s32 s10, $0x1;
	s10 =	sld [smem:$0x3FB9];
	_ =	sdelay $0x3  }
0x37: {  	[smem:$0x3FB9] =	sst s10  }
0x38: {  	s10 =	sld [smem:$0x3FBA]  }
0x39: {  	_ = 	snop;
	(pc) =	sbr.ind lr, $3  }
0x3a: {  	_ = 	snop  }
0x3b: {  	_ = 	snop  }
0x3c: {  	p2 =	seq.s32 s10, $0x1;
	s10 =	sld [smem:$0x3FB9]  }
0x3d: {  	_ =	shalt  }
0x3e: {  	_ =	shalt  }
0x3f: {  	_ =	shalt  }
0x40: {  	_ =	shalt  }
0x41: {  	_ =	shalt  }
0x42: {  	_ =	shalt  }
0x43: {  	_ =	shalt  }
0x44: {  	_ =	shalt  }
0x45: {  	_ =	shalt  }
0x46: {  	_ =	shalt  }
0x47: {  	_ =	shalt  }
0x48: {  	_ =	shalt  }
0x49: {  	_ =	shalt  }
0x4a: {  	_ =	shalt  }
0x4b: {  	_ =	shalt  }
0x4c: {  	_ =	shalt  }
0x4d: {  	_ =	shalt  }
0x4e: {  	_ =	shalt  }
0x4f: {  	_ =	shalt  }
0x50: {  	_ =	shalt  }
0x51: {  	_ =	shalt  }
0x52: {  	_ =	shalt  }
0x53: {  	_ =	shalt  }
0x54: {  	_ =	shalt  }
0x55: {  	_ =	shalt  }
0x56: {  	_ =	shalt  }
0x57: {  	_ =	shalt  }
0x58: {  	_ =	shalt  }
0x59: {  	_ =	shalt  }
0x5a: {  	_ =	shalt  }
0x5b: {  	_ =	shalt  }
0x5c: {  	_ =	shalt  }
0x5d: {  	_ =	shalt  }
0x5e: {  	_ =	shalt  }
0x5f: {  	_ =	shalt  }
0x60: {  	_ =	shalt  }
0x61: {  	_ =	shalt  }
0x62: {  	_ =	shalt  }
0x63: {  	_ =	shalt  }
0x64: {  	_ =	shalt  }
0x65: {  	_ =	shalt  }
0x66: {  	_ =	shalt  }
0x67: {  	_ =	shalt  }
0x68: {  	_ =	shalt  }
0x69: {  	_ =	shalt  }
0x6a: {  	_ =	shalt  }
0x6b: {  	_ =	shalt  }
0x6c: {  	_ =	shalt  }
0x6d: {  	_ =	shalt  }
0x6e: {  	_ =	shalt  }
0x6f: {  	_ =	shalt  }
0x70: {  	_ =	shalt  }
0x71: {  	_ =	shalt  }
0x72: {  	_ =	shalt  }
0x73: {  	_ =	shalt  }
0x74: {  	_ =	shalt  }
0x75: {  	_ =	shalt  }
0x76: {  	_ =	shalt  }
0x77: {  	_ =	shalt  }
0x78: {  	_ =	shalt  }
0x79: {  	_ =	shalt  }
0x7a: {  	_ =	shalt  }
0x7b: {  	_ =	shalt  }
0x7c: {  	_ =	shalt  }
0x7d: {  	_ =	shalt  }
0x7e: {  	_ =	shalt  }
0x7f: {  	_ =	shalt  }
0x80: {  	_ =	shalt  }
0x81: {  	_ =	shalt  }
0x82: {  	_ =	shalt  }
0x83: {  	_ =	shalt  }
0x84: {  	_ =	shalt  }
0x85: {  	_ =	shalt  }
0x86: {  	_ =	shalt  }
0x87: {  	_ =	shalt  }
.Lfunc_end0:
.L_simem_size_0:
called_computation_lowered:
.L_overlay_start_0:
0x88: {  	s2 =	sld [smem:$0x3FD9]  }
0x89: {  	s3 =	sld [smem:$0x3FFE];
	_ =	sdelay $0x1  }
0x8a: {  	s1 =	srdreg.scid  }
0x8b: {  	s0 =	sand.u32 $0x1, s1  }
0x8c: {  	s15 =	sshll.u32 s0, $0xA;
	s2 =	sadd.s32 s3, s2  }
0x8d: {  	s2 =	sadd.s32 s2, s15  }
0x8e: {  	[smem:$0x3FC5] =	sst s2  }
0x8f: {  	_ = 	snop  }
0x90: {  	s2 =	sld [smem:$0x3FD0];
	_ =	sdelay $0x2  }
0x91: {  	s16 =	simm.s32 $0xA;
	s4 =	simm.s32 $0x10  }
0x92: {  	[smem:s4], [sflag:s16] =	dma.local [hbm:s2], $0x1  }
0x93: {  	_ =	swait.eq [sflag:s16], $0x1  }
0x94: {  	[sflag:s16] =	ssyncset.done $0x0  }
0x95: {  	s17 =	sld [smem:$0x11];
	[sflag:s16] =	ssyncadd.s32 $0xFFFFFFFF  }
0x96: {  	s18 =	sld [smem:$0x12];
	(tm) =	ssettm $0x1  }
0x97: {  	s19 =	sld [smem:$0x3FFB];
	_ =	sdelay $0x3  }
0x98: {  	_ =	strace s19  }
0x99: {  	s4 =	sld [smem:$0x3FFC];
	_ =	sdelay $0x3  }
0x9a: {  	_ =	strace s4  }
0x9b: {  	s4 =	sld [smem:$0x3FFD];
	_ =	sdelay $0x3  }
0x9c: {  	_ =	strace s4  }
0x9d: {  	_ =	strace $0x8FFFFFFF  }
0x9e: {  	s20 =	sld [smem:$0x3FDB];
	_ =	sdelay $0x1  }
0x9f: {  	s5 =	simm.s32 $_scs_section_size  }
0xa0: {  	s6 =	simm.s32 $_size__tile_overlayer_lowered;
	s7 =	simm.s32 $_tile_overlayer_lowered  }
0xa1: {  	s23 =	simm.s32 $0x1BFF;
	s22 =	sshll.u32 s7, $0x1;
	s4 =	sadd.s32 s5, s20  }
0xa2: {  	s8 =	simm.s32 $0x0;
	s21 =	sshll.u32 s6, $0x1;
	s6 =	sadd.s32 s22, s4  }
0xa3: {  	[timem:s8], [sflag:s23] =	dma.local [hbm:s6], s21  }
0xa4: {  	_ =	swait.ge [sflag:s23], s21  }
0xa5: {  	s5 =	ssub.s32 $0x0, s21;
	[sflag:s23] =	ssyncset.done $0x0  }
0xa6: {  	[sflag:s23] =	ssyncadd.s32 s5;
	_ =	sdelay $0x1  }
0xa7: {  	s24 =	simm.s32 $0x1B8B  }
0xa8: {  	_ =	swait.ge [sflag:s24], $0x1  }
0xa9: {  	[sflag:s24] =	ssyncset.done $0x0  }
0xaa: {  	s25 =	simm.s32 $0x1B8E;
	[sflag:s24] =	ssyncadd.s32 $0xFFFFFFFF  }
0xab: {  	s26 =	simm.s32 $execute0_lowered;
	[smem:$0x3FD2] =	sst s25  }
0xac: {  	s5 =	sshll.u32 s26, $0x1;
	_ =	strace $0x80000046;
	[dreg:$0x1] =	wrdreg $0xFFFFFFFF  }
0xad: {  	s28 =	simm.s32 $_size_execute0_lowered;
	s4 =	sadd.s32 s4, s5;
	[dreg:$0x0] =	wrdreg $0x0  }
0xae: {  	s5 =	sshll.u32 s28, $0x1;
	[dreg:$0x2] =	wrdreg s4  }
0xaf: {  	[dreg:$0x3] =	wrdreg s5  }
0xb0: {  	[dreg:$0x4] =	wrdreg $0xC0  }
0xb1: {  	_ =	task [dreg:s8], $0x5FFFF  }
0xb2: {  	[dreg:$0x1] =	wrdreg $0xFFFFFFFF  }
0xb3: {  	[dreg:$0x0] =	wrdreg $0x60  }
0xb4: {  	[dreg:$0x2] =	wrdreg s17  }
0xb5: {  	[dreg:$0x3] =	wrdreg s18  }
0xb6: {  	[dreg:$0x4] =	wrdreg $0x9  }
0xb7: {  	_ =	task.clear_ibuf [dreg:s8], $0x5FFFF;
	_ =	strace $0x90000046  }
0xb8: {  	s29 =	simm.s32 $0x9;
	_ =	strace $0x80000048  }
0xb9: {  	_ =	swait.ge [sflag:s29], $0x1  }
0xba: {  	[sflag:s29] =	ssyncadd.s32 $0xFFFFFFFF  }
0xbb: {  	_ =	strace $0x90000048  }
0xbc: {  	_ =	sfence  }
0xbd: {  	s30 =	sld [smem:$0x0];
	_ =	sdelay $0x2  }
0xbe: {  	s31 =	sshll.u32 s1, $0xD;
	s1 =	sshrl.u32 s1, $0x2  }
0xbf: {  	s3 =	sand.u32 $0x4000, s31;
	s1 =	sadd.s32 s1, s30  }
0xc0: {  	s0 =	sor.u32 s3, s0;
	s1 =	sshll.u32 s1, $0x11  }
0xc1: {  	s0 =	sor.u32 s1, s0  }
0xc2: {  	s0 =	sadd.s32 $0x8F2B, s0  }
0xc3: {  	[sflag:s0] =	ssyncadd.remote.s32 $0x1  }
0xc4: {  	_ =	sfence.sel $0xFFFF  }
0xc5: {  	[dreg:$0x0] =	wrdreg $0xFFFFFFFF;
	(pc) =	sbr.abs _section_cstart, $3  }
0xc6: {  	[dreg:$0x1] =	wrdreg $0xFFFFFFFF  }
0xc7: {  	_ =	task.clear_ibuf [dreg:s8], $0x2FFFF;
	_ =	strace $0x9FFFFFFF  }
0xc8: {  	(tm) =	ssettm $0x7FFFFFFF  }
0xc9: {  	_ =	shalt  }
tec
execute0_lowered:
.L_overlay_start_1:
0x0: {  	(tag) =	ssettag $0x1  }
0x1: {  	s1 =	stileid.u32  }
0x2: {  	p0 =	sgt.u32 s1, $0x1  }
.Ltmp0:
0x3: {  	_ = 	snop;
	(pc) =	sbr.rel @p0 .LBB2_5-.Ltmp0, $4  }
0x4: {  	s5 =	rddreg [dreg:$0x0]  }
0x5: {  	s4 =	rddreg [dreg:$0x1];
	s2 =	simm.s32 $0x0  }
0x6: {  	[smem:$0x7FF] =	sst s2  }
0x7: {  	s0 =	rddreg [dreg:$0x2];
	_ =	strace $0x80000047  }
0x8: {  	s3 =	srdreg.scid  }
0x9: {  	s3 =	sand.u32 $0x1, s3  }
0xa: {  	s6 =	sor.u32 s3, s1  }
0xb: {  	p1 =	seq.s32 s3, $0x1;
	p0 =	seq.s32 s6, $0x0  }
0xc: {  	p0 =	por !p0, !p1  }
0xd: {  	v2 =	vimm.s32 $0xFFEDCBA9;
	v3 =	vimm.s32 $0x87654321;
	s6 =	simm.s32 $0x1;
	p0 =	por !p0, !p0  }
0xe: {  	v1 =	vimm.s32 $0xEDCBA987;
	v2 =	vunpack.c.l.s4.s8 v2;
	v3 =	vunpack.c.l.s4.s8 v3;
	s6 =	simm.s32 @!p0 $0x0  }
0xf: {  	v0 =	vimm.s32 $0x65432100;
	s9 =	simm.s32 $0x1080;
	v1 =	vunpack.c.l.s4.s8 v1;
	s6 =	ssub.s32 s1, s6  }
0x10: {  	s10 =	simm.s32 $0x1000;
	v0 =	vunpack.c.l.s4.s8 v0;
	s7 =	sshll.u32 s3, $0x7;
	v2 =	vunpack.c.0.s8.s32 v2;
	v3 =	vunpack.c.0.s8.s32 v3;
	s6 =	sshll.u32 s6, $0xE  }
0x11: {  	s11 =	simm.s32 $0x800;
	vm0 =	vcmask $0x3F3C;
	s31 =	ssub.s32 $0x2, s3;
	v1 =	vunpack.c.0.s8.s32 v1;
	s6 =	sor.u32 s7, s6  }
0x12: {  	s3 =	simm.s32 $0x1;
	s8 =	sshrl.u32 s31, $0x1;
	v4 =	vunpack.c.0.s8.s32 v0;
	v0 =	vlaneseq.u32;
	v6 =	vcombine.low v3, v2;
	s6 =	sshrl.u32 s6, $0x3  }
0x13: {  	v5 =	vand.u32 $0xF, v1;
	v1 =	vimm.s32 $0x0;
	v2 =	vor.u32 $0x80000000, v0;
	s7 =	ssub.s32 s31, s8;
	s8 =	simm.s32 $0x400;
	s4 =	sadd.s32 s4, s6  }
0x14: {  	v3 =	vcombine.low v4, v5;
	v5 =	vadd.s32 $0x1, v0;
	v4 =	vand.u32 $0xF, v6;
	s5 =	sadd.s32 s5, s6;
	s6 =	smax.u32 s7, $0x1;
	s7 =	simm.s32 $0x80  }
.LBB2_2:
0x15: {  	s12 =	simm.s32 $0x0  }
0x16: {  	[tilespmem:s12], [sflag:$0x1] =	stream.strided.gather [hbm4b:s5+s7], $0x800, s8, s7, $0x38;
	[tilespmem:$0x1100] =	vst v63  }
0x17: {  	_ =	swait.ge [sflag:s3], $0x800  }
0x18: {  	[sflag:s3] =	ssyncset.done $0x0  }
0x19: {  	[sflag:s3] =	ssyncadd.s32 $0xFFFFF800  }
0x1a: {  	[tilespmem:$0x1000] =	vst v1  }
0x1b: {  	[tilespmem:$0x1010] =	vst v1  }
0x1c: {  	[tilespmem:$0x1020] =	vst v1  }
0x1d: {  	[tilespmem:$0x1030] =	vst v1  }
0x1e: {  	v6 =	vld [tilespmem:s12+$0x0];
	_ =	sdelay $0x4  }
0x1f: {  	v6 =	vtrunc.f32 v6  }
0x20: {  	v6 =	vcvt.f32.s32 v6;
	_ =	sdelay $0x1  }
0x21: {  	v6 =	vshll.u32 v6, $0x4  }
0x22: {  	v6 =	vxor.u32 v2, v6  }
0x23: {  	(xrf1) =	vsort.ascd.msk.u32 $0xffff, v6, v0;
	_ =	sdelay $0xd  }
0x24: {  	v7, _, _ =	vpop (xrf1)  }
0x25: {  	v6 =	vshrl.u32 v7, $0x4  }
0x26: {  	v8 =	vxor.u32 $0x8000000, v6  }
0x27: {  	[tilespmem:$0x1080] =	vst v8  }
0x28: {  	v9 =	vld.idx.msk [tilespmem:v3+s9+$0x0], $0xffff;
	_ =	sdelay $0x3  }
0x29: {  	v6 =	vand.u32 $0x7F, v6;
	v10 =	vand.u32 $0xFFFFF80, v8  }
0x2a: {  	v6 =	vor.u32 v6, v10;
	vm1 =	veq.s32 v8, v9  }
0x2b: {  	v9 =	vsel vm1, $0x80000000, v2  }
0x2c: {  	(xrf0) =	vmax.scan.msk.u32 $0xffff, v9;
	_ =	sdelay $0x2  }
0x2d: {  	v62 =	vmov s12;
	v61 =	vld.idx.msk [tilespmem:v6+s10+$0x0], $0xffff  }
0x2e: {  	v10 =	vand.u32 $0xFFFFFFF0, v62  }
0x2f: {  	v10 =	vbroadcast v10, $0x0  }
0x30: {  	v7 =	vand.u32 $0xF, v7;
	v11, _, _ =	vpop (xrf0)  }
0x31: {  	v7 =	vor.u32 v10, v7;
	v11 =	vxor.u32 $0x80000000, v11  }
0x32: {  	v9 =	vsub.s32 v61, v11  }
0x33: {  	v63 =	vadd.s32 v0, v9  }
0x34: {  	v10 =	vcvt.s32.f32 v63;
	_ =	sdelay $0x1  }
0x35: {  	[tilespmem:v7+s11+$0x0] =	vst.idx.msk $0xffff, v10  }
0x36: {  	v7 =	vld.idx.msk [tilespmem:v4+s9+$0x0], $0xffff;
	_ =	sdelay $0x4  }
0x37: {  	vm1 =	vne.s32 v8, v7  }
0x38: {  	vm1 =	vmor vm1, vm0;
	_ =	sdelay $0x3  }
0x39: {  	s13 =	simm.s32 $0x10;
	v7 =	vadd.s32 v5, v9  }
.LBB2_3:
0x3a: {  	p0 =	sne.s32 s13, $0x7F0  }
0x3b: {  	[tilespmem:v6+s10+$0x0] =	vst.idx.msk vm1, v7;
	s12 =	sadd.s32 $0x10, s12;
	s14 =	smov.u32 s13;
	s13 =	sadd.s32 $0x10, s13  }
0x3c: {  	v6 =	vld [tilespmem:s12+$0x0];
	_ =	sdelay $0x4  }
0x3d: {  	v6 =	vtrunc.f32 v6  }
0x3e: {  	v6 =	vcvt.f32.s32 v6;
	_ =	sdelay $0x1  }
0x3f: {  	v6 =	vshll.u32 v6, $0x4  }
0x40: {  	v6 =	vxor.u32 v2, v6  }
0x41: {  	(xrf1) =	vsort.ascd.msk.u32 $0xffff, v6, v0;
	_ =	sdelay $0xd  }
0x42: {  	v6, _, _ =	vpop (xrf1)  }
0x43: {  	v7 =	vshrl.u32 v6, $0x4;
	v8 =	vand.u32 $0xF, v6  }
0x44: {  	v9 =	vxor.u32 $0x8000000, v7  }
0x45: {  	[tilespmem:$0x1080] =	vst v9;
	v6 =	vand.u32 $0xFFFFF80, v9  }
0x46: {  	v10 =	vld.idx.msk [tilespmem:v3+s9+$0x0], $0xffff;
	_ =	sdelay $0x3  }
0x47: {  	v7 =	vand.u32 $0x7F, v7  }
0x48: {  	v6 =	vor.u32 v7, v6  }
0x49: {  	vm1 =	veq.s32 v9, v10  }
0x4a: {  	v7 =	vsel vm1, $0x80000000, v2  }
0x4b: {  	(xrf0) =	vmax.scan.msk.u32 $0xffff, v7;
	_ =	sdelay $0x1  }
0x4c: {  	v7 =	vld.idx.msk [tilespmem:v6+s10+$0x0], $0xffff  }
0x4d: {  	v10 =	vmov s14  }
0x4e: {  	v10 =	vand.u32 $0xFFFFFFF0, v10  }
0x4f: {  	v10 =	vbroadcast v10, $0x0  }
0x50: {  	v11, _, _ =	vpop (xrf0)  }
0x51: {  	v8 =	vor.u32 v10, v8;
	v11 =	vxor.u32 $0x80000000, v11  }
0x52: {  	v7 =	vsub.s32 v7, v11  }
0x53: {  	v10 =	vadd.s32 v0, v7  }
0x54: {  	v10 =	vcvt.s32.f32 v10;
	_ =	sdelay $0x1  }
0x55: {  	[tilespmem:v8+s11+$0x0] =	vst.idx.msk $0xffff, v10  }
0x56: {  	v8 =	vld.idx.msk [tilespmem:v4+s9+$0x0], $0xffff;
	_ =	sdelay $0x5  }
0x57: {  	vm1 =	vne.s32 v9, v8  }
0x58: {  	vm1 =	vmor vm1, vm0  }
.Ltmp1:
0x59: {  	(pc) =	sbr.rel @p0 .LBB2_3-.Ltmp1, $2  }
0x5a: {  	_ =	sdelay $0x2  }
0x5b: {  	v7 =	vadd.s32 v5, v7  }
0x5c: {  	_ =	sdelay $0x2  }
0x5d: {  	s2 =	sadd.s32 $0x1, s2  }
0x5e: {  	p0 =	sne.s32 s2, s6  }
.Ltmp2:
0x5f: {  	[tilespmem:v6+s10+$0x0] =	vst.idx.msk vm1, v7;
	(pc) =	sbr.rel @p0 .LBB2_2-.Ltmp2, $4  }
0x60: {  	[hbm4b:s4+s7] =	stream.strided.scatter [tilespmem:s11], [sflag:$0x1], $0x800, s8, s7, $0x38;
	[tilespmem:$0x1100] =	vst v63  }
0x61: {  	_ =	swait.ge [sflag:s3], $0x800  }
0x62: {  	[sflag:s3] =	ssyncset.done $0x0  }
0x63: {  	[sflag:s3] =	ssyncadd.s32 $0xFFFFF800  }
.LBB2_5:
0x64: {  	_ =	sfence.sel $0x180000  }
0x65: {  	[bflag:$0x0] =	sbarrier.arrive $0xFFFF  }
0x66: {  	p0 =	sne.s32 s1, $0x0;
	_ =	strace $0x90000047  }
0x67: {  	s0 =	sadd.s32 @!p0 $0x100000, s0;
	[bflag:$0x2] =	sbarrier.arrive $0xFFFF  }
0x68: {  	[sflag:s0] =	ssyncadd.tile.s32 @!p0 $0x1;
	_ =	shalt  }
.Lfunc_end2:
_tile_overlayer_lowered:
.L_overlay_start_2:
0x69: {  	(tag) =	ssettag $0x2  }
0x6a: {  	s0 =	rddreg [dreg:$0x0];
	s2 =	stileid.u32  }
0x6b: {  	s1 =	rddreg [dreg:$0x1];
	p0 =	sne.s32 s2, $0x0  }
0x6c: {  	s3 =	rddreg [dreg:$0x2];
	[bflag:$0x3] =	sbarrier.arrive $0xFFFF;
	s2 =	simm.s32 @!p0 $0x1C01  }
0x6d: {  	[timem:s3], [sflag:s2] =	dma.local @!p0 [hbm:s0], s1  }
0x6e: {  	s0 =	simm.s32 @!p0 $0x1  }
0x6f: {  	_ =	swait.ge @!p0 [sflag:s0], s1  }
0x70: {  	s1 =	ssub.s32 @!p0 $0x0, s1;
	[sflag:s0] =	ssyncset.done @!p0 $0x0  }
0x71: {  	[sflag:s0] =	ssyncadd.s32 @!p0 s1  }
0x72: {  	[bflag:$0x3] =	sbarrier.arrive $0xFFFF  }
0x73: {  	_ =	shalt  }

</sc_bundles>
